<compile_context>
chip_gen: v7x
topology: tpu7x:2x2x1
jax: 0.10.2.dev20260603
libtpu: 0.0.44.dev20260713+nightly
codegen_flags: <defaults>
</compile_context>

<pallas_src>
import jax
import jax.numpy as jnp
from jax import lax
from jax.experimental import pallas as pl
from jax.experimental.pallas import tpu as pltpu
from jax.experimental.pallas import tpu_sc as plsc

_M, _N = 16384, 100
_NP = 128
_TOTP = _M * _NP
_NC, _NS = 2, 16
_NW = _NC * _NS
_W = _TOTP // _NW
_CHUNK = 8192
_NCHUNK = _W // _CHUNK
_LANES = 16


def _padded_gather_indices():
    key = jax.random.key(42)
    keys = jax.random.split(key, _N)
    perms = jax.vmap(lambda k: jax.random.permutation(k, _M))(keys)
    perms = perms.T.astype(jnp.int32)
    perms_p = jnp.pad(perms, ((0, 0), (0, _NP - _N)))
    col = jnp.arange(_NP, dtype=jnp.int32)[None, :]
    self_p = jnp.arange(_M, dtype=jnp.int32)[:, None] * _NP + col
    return jnp.where(col < _N, perms_p * _NP + col, self_p), self_p


def _sc_body(xf, eff, out_x, out_m, e_v, g_v, x_v, om_v, sem):
    cid = lax.axis_index("c")
    sid = lax.axis_index("s")
    wid = sid * _NC + cid

    def chunk(k, _):
        base = wid * _W + k * _CHUNK
        pltpu.sync_copy(eff.at[pl.ds(base, _CHUNK)], e_v)
        pltpu.sync_copy(xf.at[pl.ds(base, _CHUNK)], x_v)
        pltpu.async_copy(xf.at[e_v], g_v, sem).wait()

        def vec(i, _):
            b = i * _LANES
            xv = x_v[pl.ds(b, _LANES)]
            gv = g_v[pl.ds(b, _LANES)]
            om_v[pl.ds(b, _LANES)] = jnp.where(xv != gv, 1.0, 0.0)
            return 0

        lax.fori_loop(0, _CHUNK // _LANES, vec, 0)
        pltpu.sync_copy(g_v, out_x.at[pl.ds(base, _CHUNK)])
        pltpu.sync_copy(om_v, out_m.at[pl.ds(base, _CHUNK)])
        return 0

    lax.fori_loop(0, _NCHUNK, chunk, 0)


_sc_call = pl.kernel(
    _sc_body,
    out_type=[jax.ShapeDtypeStruct((_TOTP,), jnp.float32),
              jax.ShapeDtypeStruct((_TOTP,), jnp.float32)],
    mesh=plsc.VectorSubcoreMesh(core_axis_name="c", subcore_axis_name="s"),
    scratch_types=[
        pltpu.VMEM((_CHUNK,), jnp.int32),
        pltpu.VMEM((_CHUNK,), jnp.float32),
        pltpu.VMEM((_CHUNK,), jnp.float32),
        pltpu.VMEM((_CHUNK,), jnp.float32),
        pltpu.SemaphoreType.DMA,
    ],
)


def kernel(x, mask):
    gidx_p, self_p = _padded_gather_indices()
    one = mask[0, 0] * 0.0 + 1.0
    izero = (mask[0, 0] * 0.0).astype(jnp.int32)
    x_p = jnp.pad(x, ((0, 0), (0, _NP - _N)))
    m_p = jnp.pad(mask, ((0, 0), (0, _NP - _N)))
    eff = jnp.where(m_p != 0.0, gidx_p, self_p)
    x1 = x_p.reshape(_TOTP) * one
    eff1 = eff.reshape(_TOTP) + izero
    cx1, cm1 = _sc_call(x1, eff1)
    cx = cx1.reshape(_M, _NP)[:, :_N] * one
    cm = cm1.reshape(_M, _NP)[:, :_N] * one
    return cx, cm

# --- scband reference (transcript-rebuilt; emitter-appended) ---
"""Pipeline reference for scband-pretext-generator-43971875176621 (READ-ONLY COPY).

The authoritative reference and input builder live on the scoring server;
editing this copy changes nothing except your own understanding.
"""

import jax, jax.numpy as jnp
import numpy as np

M, N = 16384, 100

def setup_inputs(seed: int = 0) -> dict:
    key = jax.random.key(seed)
    k1, k2 = jax.random.split(key)
    x = jax.random.normal(k1, (M, N), dtype=jnp.float32)
    mask = jax.random.randint(k2, (M, N), 0, 2).astype(jnp.float32)
    return {"x": x, "mask": mask}

def _column_perms(m, n):
    # Deterministic per-column permutations (mirrors torch.randperm per column)
    key = jax.random.key(42)
    keys = jax.random.split(key, n)
    perms = jax.vmap(lambda k: jax.random.permutation(k, m))(keys)  # [n, m]
    return perms.T  # [m, n]

def reference(x, mask):
    m, n = x.shape
    perms = _column_perms(m, n)                      # int32 [m, n], column-wise permutations
    shuffled = jnp.take_along_axis(x, perms, axis=0)  # gather along rows per column
    corrupt_x = x * (1.0 - mask) + shuffled * mask
    corrupt_mask = 1.0 * (x != corrupt_x).astype(jnp.float32)
    return (corrupt_x, corrupt_mask)

if __name__ == "__main__":
    import jax
    _d = setup_inputs()
    print(jax.jit(kernel)(*tuple(_d.values())))

</pallas_src>

<mosaic_0001>
#map = affine_map<(d0, d1) -> (0)>
module attributes {stable_mosaic.version = 14 : i64} {
  func.func @_sc_body(%arg0: i32, %arg1: i32, %arg2: memref<2097152xf32, #tpu.memory_space<hbm>>, %arg3: memref<2097152xi32, #tpu.memory_space<hbm>>, %arg4: memref<2097152xf32, #tpu.memory_space<hbm>>, %arg5: memref<2097152xf32, #tpu.memory_space<hbm>>, %arg6: memref<8192xi32, #tpu.memory_space<vmem>>, %arg7: memref<8192xf32, #tpu.memory_space<vmem>>, %arg8: memref<8192xf32, #tpu.memory_space<vmem>>, %arg9: memref<8192xf32, #tpu.memory_space<vmem>>, %arg10: memref<!tpu.dma_semaphore, #tpu.memory_space<semaphore_mem>>) attributes {dimension_semantics = [#tpu.dimension_semantics<core_parallel>, #tpu.dimension_semantics<subcore_parallel>], iteration_bounds = array<i64: 2, 16>, scalar_prefetch = 0 : i64, scratch_operands = 5 : i64, tpu.core_type = #tpu.core_type<sc_vector_subcore>, window_params = [{transform_indices = #map}, {transform_indices = #map}, {transform_indices = #map}, {transform_indices = #map}]} {
    %mul3A = arith.constant 2 : i32
    %mul3A_0 = arith.muli %arg1, %mul3A : i32
    %add3A = arith.addi %mul3A_0, %arg0 : i32
    %scan3A = arith.constant 0 : i32
    %scan3A_1 = arith.constant 0 : i32
    %scan3A_2 = arith.constant 8 : i32
    %scan3A_3 = arith.addi %scan3A_1, %scan3A_2 : i32
    %scan3A_4 = arith.constant 1 : i32
    %scan3A_5 = scf.for %scan3A_7 = %scan3A_1 to %scan3A_3 step %scan3A_4 iter_args(%scan3A_8 = %scan3A) -> (i32)  : i32 {
      %mul3A_9 = arith.constant 65536 : i32
      %mul3A_10 = arith.muli %add3A, %mul3A_9 : i32
      %mul3A_11 = arith.constant 8192 : i32
      %mul3A_12 = arith.muli %scan3A_7, %mul3A_11 : i32
      %add3A_13 = arith.addi %mul3A_10, %mul3A_12 : i32
      "tpu.region"() ({
        %run_scoped3A = tpu.sem_alloc : memref<!tpu.dma_semaphore, #tpu.memory_space<semaphore_mem>>
        %dma_start3A_24 = tpu.memref_slice %arg3[%add3A_13] : memref<2097152xi32, #tpu.memory_space<hbm>> -> memref<8192xi32, #tpu.memory_space<hbm>>
        %dma_start3A_25 = tpu.memref_slice %arg3[%add3A_13] : memref<2097152xi32, #tpu.memory_space<hbm>> -> memref<8192xi32, #tpu.memory_space<hbm>>
        tpu.enqueue_dma source(%dma_start3A_25 : memref<8192xi32, #tpu.memory_space<hbm>>) target(%arg6 : memref<8192xi32, #tpu.memory_space<vmem>>) target_semaphore(%run_scoped3A : memref<!tpu.dma_semaphore, #tpu.memory_space<semaphore_mem>>)
        %dma_wait3A_26 = tpu.memref_slice %arg3[%add3A_13] : memref<2097152xi32, #tpu.memory_space<hbm>> -> memref<8192xi32, #tpu.memory_space<hbm>>
        %dma_wait3A_27 = tpu.memref_slice %arg3[%add3A_13] : memref<2097152xi32, #tpu.memory_space<hbm>> -> memref<8192xi32, #tpu.memory_space<hbm>>
        tpu.wait_dma2 semaphore(%run_scoped3A : memref<!tpu.dma_semaphore, #tpu.memory_space<semaphore_mem>>) src(%dma_wait3A_27 : memref<8192xi32, #tpu.memory_space<hbm>>) dst(%arg6 : memref<8192xi32, #tpu.memory_space<vmem>>)
        tpu.yield
      }) : () -> ()
      "tpu.region"() ({
        %run_scoped3A = tpu.sem_alloc : memref<!tpu.dma_semaphore, #tpu.memory_space<semaphore_mem>>
        %dma_start3A_24 = tpu.memref_slice %arg2[%add3A_13] : memref<2097152xf32, #tpu.memory_space<hbm>> -> memref<8192xf32, #tpu.memory_space<hbm>>
        %dma_start3A_25 = tpu.memref_slice %arg2[%add3A_13] : memref<2097152xf32, #tpu.memory_space<hbm>> -> memref<8192xf32, #tpu.memory_space<hbm>>
        tpu.enqueue_dma source(%dma_start3A_25 : memref<8192xf32, #tpu.memory_space<hbm>>) target(%arg8 : memref<8192xf32, #tpu.memory_space<vmem>>) target_semaphore(%run_scoped3A : memref<!tpu.dma_semaphore, #tpu.memory_space<semaphore_mem>>)
        %dma_wait3A_26 = tpu.memref_slice %arg2[%add3A_13] : memref<2097152xf32, #tpu.memory_space<hbm>> -> memref<8192xf32, #tpu.memory_space<hbm>>
        %dma_wait3A_27 = tpu.memref_slice %arg2[%add3A_13] : memref<2097152xf32, #tpu.memory_space<hbm>> -> memref<8192xf32, #tpu.memory_space<hbm>>
        tpu.wait_dma2 semaphore(%run_scoped3A : memref<!tpu.dma_semaphore, #tpu.memory_space<semaphore_mem>>) src(%dma_wait3A_27 : memref<8192xf32, #tpu.memory_space<hbm>>) dst(%arg8 : memref<8192xf32, #tpu.memory_space<vmem>>)
        tpu.yield
      }) : () -> ()
      %dma_start3A = arith.constant 0 : i32
      %dma_start3A_14 = tpu.memref_slice %arg2[%dma_start3A] : memref<2097152xf32, #tpu.memory_space<hbm>> -> memref<2097152xf32, #tpu.memory_space<hbm>>
      tpu.enqueue_indirect_dma source(%dma_start3A_14 : memref<2097152xf32, #tpu.memory_space<hbm>>) target(%arg7 : memref<8192xf32, #tpu.memory_space<vmem>>) offsets(%arg6 : memref<8192xi32, #tpu.memory_space<vmem>>) semaphore(%arg10 : memref<!tpu.dma_semaphore, #tpu.memory_space<semaphore_mem>>)
      %dma_wait3A = arith.constant 0 : i32
      %dma_wait3A_15 = tpu.memref_slice %arg2[%dma_wait3A] : memref<2097152xf32, #tpu.memory_space<hbm>> -> memref<2097152xf32, #tpu.memory_space<hbm>>
      tpu.wait_indirect_dma semaphore(%arg10 : memref<!tpu.dma_semaphore, #tpu.memory_space<semaphore_mem>>) src(%dma_wait3A_15 : memref<2097152xf32, #tpu.memory_space<hbm>>) dst(%arg7 : memref<8192xf32, #tpu.memory_space<vmem>>)
      %scan3A_16 = arith.constant 0 : i32
      %scan3A_17 = arith.constant 0 : i32
      %scan3A_18 = arith.constant 512 : i32
      %scan3A_19 = arith.addi %scan3A_17, %scan3A_18 : i32
      %scan3A_20 = arith.constant 1 : i32
      %scan3A_21 = scf.for %scan3A_24 = %scan3A_17 to %scan3A_19 step %scan3A_20 iter_args(%scan3A_25 = %scan3A_16) -> (i32)  : i32 {
        %mul3A_26 = arith.constant 16 : i32
        %mul3A_27 = arith.muli %scan3A_24, %mul3A_26 : i32
        %get3A = arith.index_cast %mul3A_27 : i32 to index
        %get3A_28 = tpu.vector_load %arg8[%get3A] {strides = array<i32>} : memref<8192xf32, #tpu.memory_space<vmem>>, vector<16xf32>,
        %get3A_29 = vector.shape_cast %get3A_28 : vector<16xf32> to vector<16xf32>
        %get3A_30 = arith.index_cast %mul3A_27 : i32 to index
        %get3A_31 = tpu.vector_load %arg7[%get3A_30] {strides = array<i32>} : memref<8192xf32, #tpu.memory_space<vmem>>, vector<16xf32>,
        %get3A_32 = vector.shape_cast %get3A_31 : vector<16xf32> to vector<16xf32>
        %ne3A = arith.cmpf one, %get3A_29, %get3A_32 : vector<16xf32>
        %jit3A = arith.constant 1.000000e+00 : f32
        %jit3A_33 = arith.constant 0.000000e+00 : f32
        %broadcast_in_dim3A = vector.broadcast %jit3A : f32 to vector<16xf32>
        %broadcast_in_dim3A_34 = vector.broadcast %jit3A_33 : f32 to vector<16xf32>
        %select_n3A = arith.select %ne3A, %broadcast_in_dim3A, %broadcast_in_dim3A_34 : vector<16xi1>, vector<16xf32>
        %swap3A = arith.index_cast %mul3A_27 : i32 to index
        %swap3A_35 = tpu.vector_load %arg9[%swap3A] {strides = array<i32>} : memref<8192xf32, #tpu.memory_space<vmem>>, vector<16xf32>,
        %swap3A_36 = vector.shape_cast %swap3A_35 : vector<16xf32> to vector<16xf32>
        %swap3A_37 = vector.shape_cast %select_n3A : vector<16xf32> to vector<16xf32>
        tpu.vector_store %arg9[%swap3A], %swap3A_37 {strides = array<i32>} : memref<8192xf32, #tpu.memory_space<vmem>>, vector<16xf32>,
        %scan3A_38 = arith.constant 0 : i32
        scf.yield %scan3A_38 : i32
      }
      %scan3A_22 = arith.constant 512 : i32
      "tpu.region"() ({
        %run_scoped3A = tpu.sem_alloc : memref<!tpu.dma_semaphore, #tpu.memory_space<semaphore_mem>>
        %dma_start3A_24 = tpu.memref_slice %arg4[%add3A_13] : memref<2097152xf32, #tpu.memory_space<hbm>> -> memref<8192xf32, #tpu.memory_space<hbm>>
        %dma_start3A_25 = tpu.memref_slice %arg4[%add3A_13] : memref<2097152xf32, #tpu.memory_space<hbm>> -> memref<8192xf32, #tpu.memory_space<hbm>>
        tpu.enqueue_dma source(%arg7 : memref<8192xf32, #tpu.memory_space<vmem>>) target(%dma_start3A_25 : memref<8192xf32, #tpu.memory_space<hbm>>) target_semaphore(%run_scoped3A : memref<!tpu.dma_semaphore, #tpu.memory_space<semaphore_mem>>)
        %dma_wait3A_26 = tpu.memref_slice %arg4[%add3A_13] : memref<2097152xf32, #tpu.memory_space<hbm>> -> memref<8192xf32, #tpu.memory_space<hbm>>
        %dma_wait3A_27 = tpu.memref_slice %arg4[%add3A_13] : memref<2097152xf32, #tpu.memory_space<hbm>> -> memref<8192xf32, #tpu.memory_space<hbm>>
        tpu.wait_dma2 semaphore(%run_scoped3A : memref<!tpu.dma_semaphore, #tpu.memory_space<semaphore_mem>>) src(%arg7 : memref<8192xf32, #tpu.memory_space<vmem>>) dst(%dma_wait3A_27 : memref<8192xf32, #tpu.memory_space<hbm>>)
        tpu.yield
      }) : () -> ()
      "tpu.region"() ({
        %run_scoped3A = tpu.sem_alloc : memref<!tpu.dma_semaphore, #tpu.memory_space<semaphore_mem>>
        %dma_start3A_24 = tpu.memref_slice %arg5[%add3A_13] : memref<2097152xf32, #tpu.memory_space<hbm>> -> memref<8192xf32, #tpu.memory_space<hbm>>
        %dma_start3A_25 = tpu.memref_slice %arg5[%add3A_13] : memref<2097152xf32, #tpu.memory_space<hbm>> -> memref<8192xf32, #tpu.memory_space<hbm>>
        tpu.enqueue_dma source(%arg9 : memref<8192xf32, #tpu.memory_space<vmem>>) target(%dma_start3A_25 : memref<8192xf32, #tpu.memory_space<hbm>>) target_semaphore(%run_scoped3A : memref<!tpu.dma_semaphore, #tpu.memory_space<semaphore_mem>>)
        %dma_wait3A_26 = tpu.memref_slice %arg5[%add3A_13] : memref<2097152xf32, #tpu.memory_space<hbm>> -> memref<8192xf32, #tpu.memory_space<hbm>>
        %dma_wait3A_27 = tpu.memref_slice %arg5[%add3A_13] : memref<2097152xf32, #tpu.memory_space<hbm>> -> memref<8192xf32, #tpu.memory_space<hbm>>
        tpu.wait_dma2 semaphore(%run_scoped3A : memref<!tpu.dma_semaphore, #tpu.memory_space<semaphore_mem>>) src(%arg9 : memref<8192xf32, #tpu.memory_space<vmem>>) dst(%dma_wait3A_27 : memref<8192xf32, #tpu.memory_space<hbm>>)
        tpu.yield
      }) : () -> ()
      %scan3A_23 = arith.constant 0 : i32
      scf.yield %scan3A_23 : i32
    }
    %scan3A_6 = arith.constant 8 : i32
    return
  }
}

</mosaic_0001>

<sc_bundles>
// kernel: kernel.3.cloned.1.call-start
scs
__scs_entry_jumppad:
0x0: {  	(pc) =	sbr.rel $0x88, $3  }
0x1: {  	(tag) =	ssettag $0x0;
	lr =	simm.s32 $0x1  }
0x2: {  	[smem:$0x3F9F] =	sst lr;
	_ =	strace $0xD0000000  }
0x3: {  	_ = 	snop  }
0x4: {  	_ = 	snop  }
0x5: {  	_ = 	snop  }
0x6: {  	_ = 	snop  }
0x7: {  	_ = 	snop  }
__scs_overlays_trampoline_lowered:
0x8: {  	[smem:$0x3FAE] =	sst s0  }
0x9: {  	[smem:$0x3FAF] =	sst s1  }
0xa: {  	[smem:$0x3FB0] =	sst s2  }
0xb: {  	[smem:$0x3FB1] =	sst s3  }
0xc: {  	[smem:$0x3FB2] =	sst s4  }
0xd: {  	[smem:$0x3FB3] =	sst s5  }
0xe: {  	[smem:$0x3FB4] =	sst s6  }
0xf: {  	[smem:$0x3FB5] =	sst s7  }
0x10: {  	[smem:$0x3FB6] =	sst s8  }
0x11: {  	[smem:$0x3FB7] =	sst s9;
	s0 =	simm.s32 @!p0 $0x0  }
0x12: {  	s1 =	sld [smem:$0x3F9D];
	s0 =	simm.s32 @p0 $0x1  }
0x13: {  	[smem:$0x3FB8] =	sst s0;
	s0 =	simm.s32 @!p1 $0x0  }
0x14: {  	s2 =	sld [smem:$0x3F9C];
	s0 =	simm.s32 @p1 $0x1  }
0x15: {  	[smem:$0x3FB9] =	sst s0;
	s0 =	simm.s32 @!p2 $0x0  }
0x16: {  	s3 =	sld [smem:$0x3FDB];
	s0 =	simm.s32 @p2 $0x1  }
0x17: {  	s4 =	simm.s32 $0x1BF5;
	[smem:$0x3FBB] =	sst s0  }
0x18: {  	s0 =	sld [smem:$0x3F9E];
	_ =	swait.ge [sflag:s4], $0x0  }
0x19: {  	s7 =	sld [smem:$0x3F9F]  }
0x1a: {  	s8 =	sadd.s32 $0xFFFFE003, lr  }
0x1b: {  	s9 =	sadd.s32 $0xFFFFFEF7, lr;
	s5 =	simm.s32 $0xFFFFFFFF;
	p2 =	slt.u32 s8, $0xFFFFF086  }
0x1c: {  	p1 =	slt.u32 s9, $0xF7A;
	s5 =	simm.s32 @!p2 $0x0  }
0x1d: {  	s5 =	simm.s32 @p1 $0x1;
	p0 =	seq.s32 s7, s2  }
0x1e: {  	s7 =	smul.u32 @!p0 $0xF7A, s2;
	p2 =	seq.s32 @!p0 s5, $0x0  }
0x1f: {  	s9 =	smul.u32 $0xF7A, s1;
	s8 =	simm.s32 @!p0 $0x1BF5;
	p2 =	por !p2, p0  }
0x20: {  	[sflag:s8] =	ssyncset.s32 @!p0 $0xFFFFF086;
	s6 =	sadd.s32 @!p0 s3, s7;
	s7 =	simm.s32 @!p0 $0x108  }
0x21: {  	s3 =	sadd.s32 s3, s9;
	s6 =	sadd.s32 @!p0 $0x88, s6;
	s7 =	simm.s32 @p2 $0x1082  }
0x22: {  	[simem:s7], [sflag:s8] =	dma.local @!p0 [hbm:s6], $0xF7A  }
0x23: {  	s9 =	sor.u32 $0xD0000000, s2;
	s6 =	simm.s32 $0x108;
	_ =	swait.ge @!p0 [sflag:s8], $0x0  }
0x24: {  	s3 =	sadd.s32 $0x88, s3;
	s6 =	simm.s32 @!p1 $0x1082;
	[sflag:s4] =	ssyncset.s32 $0xFFFFF086  }
0x25: {  	[simem:s6], [sflag:s4] =	dma.local [hbm:s3], $0xF7A  }
0x26: {  	[smem:$0x3F9F] =	sst s1;
	(tag) =	ssettag s2;
	_ =	strace s9  }
0x27: {  	s1 =	sld [smem:$0x3FAF]  }
0x28: {  	s2 =	sld [smem:$0x3FB0]  }
0x29: {  	s4 =	sld [smem:$0x3FB2]  }
0x2a: {  	p0 =	seq.s32 s5, $0x0;
	s5 =	sld [smem:$0x3FB3]  }
0x2b: {  	s6 =	sld [smem:$0x3FB4]  }
0x2c: {  	s7 =	sld [smem:$0x3FB5]  }
0x2d: {  	s3 =	simm.s32 $0x108;
	s8 =	sld [smem:$0x3FB6]  }
0x2e: {  	s3 =	simm.s32 @!p0 $0x1082;
	s9 =	sld [smem:$0x3FB7]  }
0x2f: {  	lr =	sadd.s32 s0, s3;
	s0 =	sld [smem:$0x3FAE]  }
0x30: {  	s3 =	sld [smem:$0x3FB1]  }
0x31: {  	[smem:$0x3FBA] =	sst s10  }
0x32: {  	s10 =	sld [smem:$0x3FB8];
	_ =	sdelay $0x3  }
0x33: {  	p0 =	seq.s32 s10, $0x1;
	s10 =	sld [smem:$0x3FBA];
	_ =	sdelay $0x3  }
0x34: {  	[smem:$0x3FBA] =	sst s10  }
0x35: {  	s10 =	sld [smem:$0x3FB9];
	_ =	sdelay $0x3  }
0x36: {  	p1 =	seq.s32 s10, $0x1;
	s10 =	sld [smem:$0x3FBA];
	_ =	sdelay $0x3  }
0x37: {  	[smem:$0x3FBA] =	sst s10  }
0x38: {  	s10 =	sld [smem:$0x3FBB]  }
0x39: {  	_ = 	snop;
	(pc) =	sbr.ind lr, $3  }
0x3a: {  	_ = 	snop  }
0x3b: {  	_ = 	snop  }
0x3c: {  	p2 =	seq.s32 s10, $0x1;
	s10 =	sld [smem:$0x3FBA]  }
0x3d: {  	_ =	shalt  }
0x3e: {  	_ =	shalt  }
0x3f: {  	_ =	shalt  }
0x40: {  	_ =	shalt  }
0x41: {  	_ =	shalt  }
0x42: {  	_ =	shalt  }
0x43: {  	_ =	shalt  }
0x44: {  	_ =	shalt  }
0x45: {  	_ =	shalt  }
0x46: {  	_ =	shalt  }
0x47: {  	_ =	shalt  }
0x48: {  	_ =	shalt  }
0x49: {  	_ =	shalt  }
0x4a: {  	_ =	shalt  }
0x4b: {  	_ =	shalt  }
0x4c: {  	_ =	shalt  }
0x4d: {  	_ =	shalt  }
0x4e: {  	_ =	shalt  }
0x4f: {  	_ =	shalt  }
0x50: {  	_ =	shalt  }
0x51: {  	_ =	shalt  }
0x52: {  	_ =	shalt  }
0x53: {  	_ =	shalt  }
0x54: {  	_ =	shalt  }
0x55: {  	_ =	shalt  }
0x56: {  	_ =	shalt  }
0x57: {  	_ =	shalt  }
0x58: {  	_ =	shalt  }
0x59: {  	_ =	shalt  }
0x5a: {  	_ =	shalt  }
0x5b: {  	_ =	shalt  }
0x5c: {  	_ =	shalt  }
0x5d: {  	_ =	shalt  }
0x5e: {  	_ =	shalt  }
0x5f: {  	_ =	shalt  }
0x60: {  	_ =	shalt  }
0x61: {  	_ =	shalt  }
0x62: {  	_ =	shalt  }
0x63: {  	_ =	shalt  }
0x64: {  	_ =	shalt  }
0x65: {  	_ =	shalt  }
0x66: {  	_ =	shalt  }
0x67: {  	_ =	shalt  }
0x68: {  	_ =	shalt  }
0x69: {  	_ =	shalt  }
0x6a: {  	_ =	shalt  }
0x6b: {  	_ =	shalt  }
0x6c: {  	_ =	shalt  }
0x6d: {  	_ =	shalt  }
0x6e: {  	_ =	shalt  }
0x6f: {  	_ =	shalt  }
0x70: {  	_ =	shalt  }
0x71: {  	_ =	shalt  }
0x72: {  	_ =	shalt  }
0x73: {  	_ =	shalt  }
0x74: {  	_ =	shalt  }
0x75: {  	_ =	shalt  }
0x76: {  	_ =	shalt  }
0x77: {  	_ =	shalt  }
0x78: {  	_ =	shalt  }
0x79: {  	_ =	shalt  }
0x7a: {  	_ =	shalt  }
0x7b: {  	_ =	shalt  }
0x7c: {  	_ =	shalt  }
0x7d: {  	_ =	shalt  }
0x7e: {  	_ =	shalt  }
0x7f: {  	_ =	shalt  }
0x80: {  	_ =	shalt  }
0x81: {  	_ =	shalt  }
0x82: {  	_ =	shalt  }
0x83: {  	_ =	shalt  }
0x84: {  	_ =	shalt  }
0x85: {  	_ =	shalt  }
0x86: {  	_ =	shalt  }
0x87: {  	_ =	shalt  }
.Lfunc_end0:
.L_simem_size_0:
called_computation_lowered:
.L_overlay_start_0:
0x88: {  	s2 =	sld [smem:$0x3FD9]  }
0x89: {  	s3 =	sld [smem:$0x3FFE];
	_ =	sdelay $0x1  }
0x8a: {  	s1 =	srdreg.scid  }
0x8b: {  	s0 =	sand.u32 $0x1, s1  }
0x8c: {  	s16 =	sshll.u32 s0, $0xA;
	s2 =	sadd.s32 s3, s2  }
0x8d: {  	s2 =	sadd.s32 s2, s16  }
0x8e: {  	[smem:$0x3FC6] =	sst s2  }
0x8f: {  	_ = 	snop  }
0x90: {  	(tm) =	ssettm $0x1  }
0x91: {  	s17 =	sld [smem:$0x3FFB];
	_ =	sdelay $0x3  }
0x92: {  	_ =	strace s17  }
0x93: {  	s2 =	sld [smem:$0x3FFC];
	_ =	sdelay $0x3  }
0x94: {  	_ =	strace s2  }
0x95: {  	s2 =	sld [smem:$0x3FFD];
	_ =	sdelay $0x3  }
0x96: {  	_ =	strace s2  }
0x97: {  	_ =	strace $0x8FFFFFFF  }
0x98: {  	s18 =	sld [smem:$0x3FDB];
	_ =	sdelay $0x1  }
0x99: {  	s19 =	simm.s32 $_scs_section_size  }
0x9a: {  	s4 =	simm.s32 $_size__tile_overlayer_lowered;
	s5 =	simm.s32 $_tile_overlayer_lowered  }
0x9b: {  	s22 =	simm.s32 $0x1BFF;
	s21 =	sshll.u32 s5, $0x1;
	s2 =	sadd.s32 s19, s18  }
0x9c: {  	s6 =	simm.s32 $0x0;
	s20 =	sshll.u32 s4, $0x1;
	s4 =	sadd.s32 s21, s2  }
0x9d: {  	[timem:s6], [sflag:s22] =	dma.local [hbm:s4], s20  }
0x9e: {  	_ =	swait.ge [sflag:s22], s20  }
0x9f: {  	s3 =	ssub.s32 $0x0, s20;
	[sflag:s22] =	ssyncset.done $0x0  }
0xa0: {  	[sflag:s22] =	ssyncadd.s32 s3;
	_ =	sdelay $0x1  }
0xa1: {  	s23 =	simm.s32 $0x1B8B  }
0xa2: {  	_ =	swait.ge [sflag:s23], $0x1  }
0xa3: {  	[sflag:s23] =	ssyncset.done $0x0  }
0xa4: {  	s25 =	simm.s32 $0x1B8E;
	s24 =	sld [smem:$0x3FFE];
	[sflag:s23] =	ssyncadd.s32 $0xFFFFFFFF  }
0xa5: {  	s26 =	simm.s32 $execute0_lowered;
	[smem:$0x3FD2] =	sst s25  }
0xa6: {  	s4 =	sshll.u32 s26, $0x1;
	_ =	strace $0x80000046;
	[dreg:$0x1] =	wrdreg $0xFFFFFFFF  }
0xa7: {  	s28 =	simm.s32 $_size_execute0_lowered;
	s2 =	sadd.s32 s2, s4;
	[dreg:$0x0] =	wrdreg $0x0  }
0xa8: {  	s4 =	sshll.u32 s28, $0x1;
	[dreg:$0x2] =	wrdreg s2  }
0xa9: {  	[dreg:$0x3] =	wrdreg s4  }
0xaa: {  	[dreg:$0x4] =	wrdreg $0xC0  }
0xab: {  	_ =	task [dreg:s6], $0x5FFFF  }
0xac: {  	[dreg:$0x1] =	wrdreg $0xFFFFFFFF  }
0xad: {  	[dreg:$0x0] =	wrdreg $0x60  }
0xae: {  	[dreg:$0x2] =	wrdreg s24  }
0xaf: {  	[dreg:$0x3] =	wrdreg $0x9  }
0xb0: {  	_ =	task.clear_ibuf [dreg:s6], $0x4FFFF;
	_ =	strace $0x90000046  }
0xb1: {  	s29 =	simm.s32 $0x9;
	_ =	strace $0x80000048  }
0xb2: {  	_ =	swait.ge [sflag:s29], $0x1  }
0xb3: {  	[sflag:s29] =	ssyncadd.s32 $0xFFFFFFFF  }
0xb4: {  	_ =	strace $0x90000048  }
0xb5: {  	_ =	sfence  }
0xb6: {  	s30 =	sld [smem:$0x0];
	_ =	sdelay $0x2  }
0xb7: {  	s31 =	sshll.u32 s1, $0xD;
	s1 =	sshrl.u32 s1, $0x2  }
0xb8: {  	s3 =	sand.u32 $0x4000, s31;
	s1 =	sadd.s32 s1, s30  }
0xb9: {  	s0 =	sor.u32 s3, s0;
	s1 =	sshll.u32 s1, $0x11  }
0xba: {  	s0 =	sor.u32 s1, s0  }
0xbb: {  	s0 =	sadd.s32 $0x8F2B, s0  }
0xbc: {  	[sflag:s0] =	ssyncadd.remote.s32 $0x1  }
0xbd: {  	_ =	sfence.sel $0xFFFF  }
0xbe: {  	[dreg:$0x0] =	wrdreg $0xFFFFFFFF;
	(pc) =	sbr.abs _section_cstart, $3  }
0xbf: {  	[dreg:$0x1] =	wrdreg $0xFFFFFFFF  }
0xc0: {  	_ =	task.clear_ibuf [dreg:s6], $0x2FFFF;
	_ =	strace $0x9FFFFFFF  }
0xc1: {  	(tm) =	ssettm $0x7FFFFFFF  }
tec
execute0_lowered:
.L_overlay_start_1:
0x0: {  	(tag) =	ssettag $0x1  }
0x1: {  	s6 =	rddreg [dreg:$0x0]  }
0x2: {  	s0 =	rddreg [dreg:$0x1];
	s1 =	simm.s32 $0x0;
	s2 =	srdreg.scid  }
0x3: {  	s10 =	simm.s32 $0x4000;
	s11 =	simm.s32 $0x2000;
	s12 =	simm.s32 $0x1  }
0x4: {  	s13 =	simm.s32 $0x6000;
	s14 =	simm.s32 $0x0;
	[smem:$0x7FF] =	sst s1  }
0x5: {  	s7 =	sand.u32 $0x1, s2;
	s3 =	sadd.s32 $0x40800, s6;
	s4 =	sadd.s32 $0x800, s6  }
0x6: {  	s5 =	sadd.s32 $0x80800, s6;
	s2 =	stileid.u32;
	s8 =	ssub.s32 $0x2, s7  }
0x7: {  	s6 =	sadd.s32 $0xC0800, s6;
	_ =	strace $0x80000047;
	s9 =	sshrl.u32 s8, $0x1  }
0x8: {  	s31 =	sshll.u32 s2, $0xE;
	s7 =	sshll.u32 s7, $0xD;
	s8 =	ssub.s32 s8, s9  }
0x9: {  	v0 =	vimm.f32 $0.0e+00;
	s7 =	sor.u32 s7, s31;
	s9 =	simm.s32 $0x2;
	s8 =	smax.u32 s8, $0x1  }
.LBB2_1:
0xa: {  	s15 =	simm.s32 $0x0  }
.LBB2_2:
0xb: {  	s16 =	sshll.u32 s15, $0xA  }
0xc: {  	s16 =	sadd.s32 s7, s16  }
0xd: {  	s18 =	simm.s32 $0x0;
	s17 =	sadd.s32 s4, s16  }
0xe: {  	[tilespmem:s18], [sflag:$0x2] =	stream.linear.gather [hbm4b:s17+s18], $0x2000, $0x38;
	[tilespmem:$0x8000] =	vst v63  }
0xf: {  	_ =	swait.ge [sflag:s9], $0x2000  }
0x10: {  	[sflag:s9] =	ssyncset.done $0x0  }
0x11: {  	s31 =	sadd.s32 s3, s16;
	[sflag:s9] =	ssyncadd.s32 $0xFFFFE000  }
0x12: {  	[tilespmem:s10], [sflag:$0x2] =	stream.linear.gather [hbm4b:s31+s18], $0x2000, $0x38;
	[tilespmem:$0x8000] =	vst v63  }
0x13: {  	_ =	swait.ge [sflag:s9], $0x2000  }
0x14: {  	[sflag:s9] =	ssyncset.done $0x0  }
0x15: {  	[sflag:s9] =	ssyncadd.s32 $0xFFFFE000  }
0x16: {  	[tilespmem:s11], [sflag:$0x1] =	stream.indirect.gather [hbm4b:s3+s11], $0x1, s18, s11, $0xb8;
	[tilespmem:$0x8000] =	vst v63  }
0x17: {  	_ =	swait.ge [sflag:s12], $0x2000  }
0x18: {  	[sflag:s12] =	ssyncset.done $0x0  }
0x19: {  	s17 =	simm.s32 $0x0;
	[sflag:s12] =	ssyncadd.s32 $0xFFFFE000  }
0x1a: {  	v1 =	vld [tilespmem:s17+$0x4000]  }
0x1b: {  	v2 =	vld [tilespmem:s17+$0x2000];
	_ =	sdelay $0x1  }
0x1c: {  	s18 =	simm.s32 $0x40  }
.LBB2_3:
0x1d: {  	p0 =	sne.s32 s18, $0x7FC0  }
.Ltmp0:
0x1e: {  	s19 =	sshra.s32 s18, $0x2;
	(pc) =	sbr.rel @p0 .LBB2_3-.Ltmp0, $4  }
0x1f: {  	s18 =	sadd.s32 $0x40, s18;
	vm0 =	vlt.f32 v1, v2;
	vm1 =	vgt.f32 v1, v2;
	v1 =	vld [tilespmem:s19+$0x4000]  }
0x20: {  	v2 =	vld [tilespmem:s19+$0x2000];
	vm0 =	vmor vm1, vm0  }
0x21: {  	v3 =	vsel vm0, $0x3F800000, v0  }
0x22: {  	[tilespmem:s17+$0x6000] =	vst v3;
	s17 =	smov.u32 s19  }
0x23: {  	_ =	sdelay $0x1  }
0x24: {  	vm0 =	vlt.f32 v1, v2;
	vm1 =	vgt.f32 v1, v2  }
0x25: {  	vm0 =	vmor vm1, vm0  }
0x26: {  	v1 =	vsel vm0, $0x3F800000, v0  }
0x27: {  	s30 =	sadd.s32 s5, s16;
	[tilespmem:s17+$0x6000] =	vst v1  }
0x28: {  	[hbm4b:s30+s1] =	stream.linear.scatter [tilespmem:s11], [sflag:$0x2], $0x2000, $0x38;
	[tilespmem:$0x8000] =	vst v63  }
0x29: {  	s15 =	sadd.s32 $0x1, s15;
	_ =	swait.ge [sflag:s9], $0x2000  }
0x2a: {  	p0 =	sne.s32 s15, $0x8;
	[sflag:s9] =	ssyncset.done $0x0  }
.Ltmp1:
0x2b: {  	s31 =	sadd.s32 s6, s16;
	[sflag:s9] =	ssyncadd.s32 $0xFFFFE000;
	(pc) =	sbr.rel @p0 .LBB2_2-.Ltmp1, $4  }
0x2c: {  	[hbm4b:s31+s1] =	stream.linear.scatter [tilespmem:s13], [sflag:$0x2], $0x2000, $0x38;
	[tilespmem:$0x8000] =	vst v63  }
0x2d: {  	_ =	swait.ge [sflag:s9], $0x2000  }
0x2e: {  	[sflag:s9] =	ssyncset.done $0x0  }
0x2f: {  	[sflag:s9] =	ssyncadd.s32 $0xFFFFE000  }
0x30: {  	s14 =	sadd.s32 $0x1, s14  }
0x31: {  	p0 =	sne.s32 s14, s8  }
.Ltmp2:
0x32: {  	_ = 	snop;
	(pc) =	sbr.rel @p0 .LBB2_1-.Ltmp2, $1  }
0x33: {  	_ =	sdelay $0x3  }
0x34: {  	_ =	sfence.sel $0x180000  }
0x35: {  	[bflag:$0x0] =	sbarrier.arrive $0xFFFF  }
0x36: {  	p0 =	sne.s32 s2, $0x0;
	_ =	strace $0x90000047  }
0x37: {  	s0 =	sadd.s32 @!p0 $0x100000, s0;
	[bflag:$0x2] =	sbarrier.arrive $0xFFFF  }
0x38: {  	[sflag:s0] =	ssyncadd.tile.s32 @!p0 $0x1;
	_ =	shalt  }
.Lfunc_end2:
_tile_overlayer_lowered:
.L_overlay_start_2:
0x39: {  	(tag) =	ssettag $0x2  }
0x3a: {  	s0 =	rddreg [dreg:$0x0];
	s2 =	stileid.u32  }
0x3b: {  	s1 =	rddreg [dreg:$0x1];
	p0 =	sne.s32 s2, $0x0  }
0x3c: {  	s3 =	rddreg [dreg:$0x2];
	[bflag:$0x3] =	sbarrier.arrive $0xFFFF;
	s2 =	simm.s32 @!p0 $0x1C02  }
0x3d: {  	[timem:s3], [sflag:s2] =	dma.local @!p0 [hbm:s0], s1  }
0x3e: {  	s0 =	simm.s32 @!p0 $0x2  }
0x3f: {  	_ =	swait.ge @!p0 [sflag:s0], s1  }
0x40: {  	s1 =	ssub.s32 @!p0 $0x0, s1;
	[sflag:s0] =	ssyncset.done @!p0 $0x0  }
0x41: {  	[sflag:s0] =	ssyncadd.s32 @!p0 s1  }
0x42: {  	[bflag:$0x3] =	sbarrier.arrive $0xFFFF  }
0x43: {  	_ =	shalt  }

</sc_bundles>
